<compile_context>
chip_gen: v7x
topology: tpu7x:2x2x1
jax: 0.10.2.dev20260603
libtpu: 0.0.44.dev20260713+nightly
codegen_flags: <defaults>
</compile_context>

<pallas_src>
import functools

import jax
import jax.numpy as jnp
from jax import lax
from jax.experimental import pallas as pl
from jax.experimental.pallas import tpu as pltpu
from jax.experimental.pallas import tpu_sc as plsc

N = 4096
D = 128
K = 32
H1 = 514
M_OUT = 16
E = N * K

BLK_A = 256


def _topk_body(coors_ref, coorsT_ref, idx_ref, dsel_ref, dist_s):
    ci = coors_ref[...]
    acc = None
    for c in range(3):
        rel = ci[:, c:c + 1] - coorsT_ref[c:c + 1, :]
        sq = rel * rel
        acc = sq if acc is None else acc + sq
    dist_s[...] = acc

    jidx = lax.broadcasted_iota(jnp.int32, (BLK_A, N), 1)
    lanek = lax.broadcasted_iota(jnp.int32, (BLK_A, K), 1)

    def body(k, _):
        dmat = dist_s[...]
        m = jnp.min(dmat, axis=1, keepdims=True)
        cand = jnp.where(dmat == m, jidx, N)
        sel = jnp.min(cand, axis=1, keepdims=True)
        idx_ref[...] = jnp.where(lanek == k, sel, idx_ref[...])
        dsel_ref[...] = jnp.where(lanek == k, m, dsel_ref[...])
        dist_s[...] = jnp.where(jidx == sel, jnp.inf, dmat)
        return 0

    lax.fori_loop(0, K, body, 0)


def _topk(coors2, coorsT):
    return pl.pallas_call(
        _topk_body,
        grid=(N // BLK_A,),
        in_specs=[
            pl.BlockSpec((BLK_A, 3), lambda i: (i, 0)),
            pl.BlockSpec((3, N), lambda i: (0, 0)),
        ],
        out_specs=[
            pl.BlockSpec((BLK_A, K), lambda i: (i, 0)),
            pl.BlockSpec((BLK_A, K), lambda i: (i, 0)),
        ],
        out_shape=[
            jax.ShapeDtypeStruct((N, K), jnp.int32),
            jax.ShapeDtypeStruct((N, K), jnp.float32),
        ],
        scratch_shapes=[pltpu.VMEM((BLK_A, N), jnp.float32)],
    )(coors2, coorsT)


NC, NS = 2, 16
NW = NC * NS
PER_W = E // NW
CH = 128
NCH = PER_W // CH
CPAD = 128

def _sc_gather_body(feats_hbm, cpad_hbm, idx_hbm, outg_hbm, outc_hbm,
                    idx_v, rows_v, cj_v, sem_f, sem_c):
    wid = lax.axis_index("s") * NC + lax.axis_index("c")
    base = wid * PER_W

    def chunk(c, _):
        off = base + c * CH
        pltpu.sync_copy(idx_hbm.at[pl.ds(off, CH)], idx_v)
        cp_f = pltpu.async_copy(feats_hbm.at[idx_v], rows_v, sem_f)
        cp_c = pltpu.async_copy(cpad_hbm.at[idx_v], cj_v, sem_c)
        cp_f.wait()
        cp_c.wait()
        pltpu.sync_copy(rows_v, outg_hbm.at[pl.ds(off, CH)])
        pltpu.sync_copy(cj_v, outc_hbm.at[pl.ds(off, CH)])
        return 0

    lax.fori_loop(0, NCH, chunk, 0)


@functools.cache
def _sc_gather_fn():
    mesh = plsc.VectorSubcoreMesh(
        core_axis_name="c", subcore_axis_name="s",
        num_cores=NC, num_subcores=NS)
    return pl.kernel(
        _sc_gather_body,
        out_type=[
            jax.ShapeDtypeStruct((E, D), jnp.float32),
            jax.ShapeDtypeStruct((E, CPAD), jnp.float32),
        ],
        mesh=mesh,
        scratch_types=[
            pltpu.VMEM((CH,), jnp.int32),
            pltpu.VMEM((CH, D), jnp.float32),
            pltpu.VMEM((CH, CPAD), jnp.float32),
            pltpu.SemaphoreType.DMA,
            pltpu.SemaphoreType.DMA,
        ],
    )


def _sc_gather(feats2, cpad, idx_flat):
    return _sc_gather_fn()(feats2, cpad, idx_flat)


BN = 32
BE = BN * K


def _fused_body(f_ref, g_ref, cj_ref, de_ref, c_ref,
                wtop_ref, wmid_ref, wlast_ref, eb1_ref, ew2_ref, eb2_ref,
                cw1_ref, cb1_ref, cw2_ref, cb2_ref,
                nw1a_ref, nw1b_ref, nb1_ref, nw2_ref, nb2_ref,
                nodeo_ref, coorso_ref):
    silu = jax.nn.silu
    f = f_ref[...]
    ai = jnp.dot(f, wtop_ref[...], preferred_element_type=jnp.float32)
    pre = jnp.dot(g_ref[...], wmid_ref[...],
                  preferred_element_type=jnp.float32)
    pre3 = pre.reshape(BN, K, H1) + ai[:, None, :]
    de3 = de_ref[...].reshape(BN, K, 1)
    pre3 = pre3 + de3 * wlast_ref[...][None] + eb1_ref[...][None]
    h = silu(pre3).reshape(BE, H1)
    m = silu(jnp.dot(h, ew2_ref[...], preferred_element_type=jnp.float32)
             + eb2_ref[...])
    chid = silu(jnp.dot(m, cw1_ref[...], preferred_element_type=jnp.float32)
                + cb1_ref[...])
    cwt = (jnp.dot(chid, cw2_ref[...], preferred_element_type=jnp.float32)
           + cb2_ref[...])
    w3 = cwt.reshape(BN, K, 1)
    cj3 = cj_ref[...].reshape(BN, K, CPAD)[:, :, :3]
    ci = c_ref[...]
    rc3 = ci[:, None, :] - cj3
    coorso_ref[...] = jnp.sum(w3 * rc3, axis=1) + ci
    m_i = jnp.sum(m.reshape(BN, K, M_OUT), axis=1)
    npre = (jnp.dot(f, nw1a_ref[...], preferred_element_type=jnp.float32)
            + jnp.dot(m_i, nw1b_ref[...], preferred_element_type=jnp.float32)
            + nb1_ref[...])
    nh = silu(npre)
    nodeo_ref[...] = (jnp.dot(nh, nw2_ref[...],
                              preferred_element_type=jnp.float32)
                      + nb2_ref[...] + f)


def _fused(feats2, g, cj, de, coors2, wtop, wmid, wlast, eb1, ew2, eb2,
           cw1, cb1, cw2, cb2, nw1a, nw1b, nb1, nw2, nb2):
    def full(shape):
        return pl.BlockSpec(shape, lambda i: tuple(0 for _ in shape))
    return pl.pallas_call(
        _fused_body,
        grid=(N // BN,),
        in_specs=[
            pl.BlockSpec((BN, D), lambda i: (i, 0)),
            pl.BlockSpec((BE, D), lambda i: (i, 0)),
            pl.BlockSpec((BE, CPAD), lambda i: (i, 0)),
            pl.BlockSpec((BE, 1), lambda i: (i, 0)),
            pl.BlockSpec((BN, 3), lambda i: (i, 0)),
            full((D, H1)), full((D, H1)), full((1, H1)), full((1, H1)),
            full((H1, M_OUT)), full((1, M_OUT)),
            full((M_OUT, 64)), full((1, 64)), full((64, 1)), full((1, 1)),
            full((D, 2 * D)), full((M_OUT, 2 * D)), full((1, 2 * D)),
            full((2 * D, D)), full((1, D)),
        ],
        out_specs=[
            pl.BlockSpec((BN, D), lambda i: (i, 0)),
            pl.BlockSpec((BN, 3), lambda i: (i, 0)),
        ],
        out_shape=[
            jax.ShapeDtypeStruct((N, D), jnp.float32),
            jax.ShapeDtypeStruct((N, 3), jnp.float32),
        ],
    )(feats2, g, cj, de, coors2, wtop, wmid, wlast, eb1, ew2, eb2,
      cw1, cb1, cw2, cb2, nw1a, nw1b, nb1, nw2, nb2)


def kernel(feats, coors, ew1, eb1, ew2, eb2, cw1, cb1, cw2, cb2,
           nw1, nb1, nw2, nb2):
    feats2 = feats[0]
    coors2 = coors[0]
    coorsT = coors2.T

    idx, dsel = _topk(coors2, coorsT)

    idx_flat = idx.reshape(E)
    cpad = jnp.concatenate(
        [coors2, jnp.zeros((N, CPAD - 3), coors2.dtype)], axis=1)
    g, cj = _sc_gather(feats2, cpad, idx_flat)

    de = dsel.reshape(E, 1)
    node_out, coors_out = _fused(
        feats2, g, cj, de, coors2,
        ew1[:D], ew1[D:2 * D], ew1[2 * D:2 * D + 1], eb1[None],
        ew2, eb2[None], cw1, cb1[None], cw2, cb2[None],
        nw1[:D], nw1[D:], nb1[None], nw2, nb2[None])
    return node_out[None], coors_out[None]

# --- scband reference (transcript-rebuilt; emitter-appended) ---
"""Pipeline reference for scband-egnn-33182917329496 (READ-ONLY COPY).

The authoritative reference and input builder live on the scoring server;
editing this copy changes nothing except your own understanding.
"""

import jax, jax.numpy as jnp
import numpy as np

DIM = 128
M_DIM = 16
K = 32
EDGE_IN = 2 * DIM + 1  # 257


def setup_inputs(seed: int = 0) -> dict:
    key = jax.random.key(seed)
    ks = jax.random.split(key, 16)
    feats = jax.random.normal(ks[0], (1, 4096, DIM), dtype=jnp.float32)
    coors = jax.random.normal(ks[1], (1, 4096, 3), dtype=jnp.float32)
    init_eps = 0.001
    # edge_mlp: Linear(257, 514) -> SiLU -> Linear(514, 16) -> SiLU
    ew1 = jax.random.normal(ks[2], (EDGE_IN, EDGE_IN * 2), dtype=jnp.float32) * init_eps
    eb1 = jnp.zeros((EDGE_IN * 2,), dtype=jnp.float32)
    ew2 = jax.random.normal(ks[3], (EDGE_IN * 2, M_DIM), dtype=jnp.float32) * init_eps
    eb2 = jnp.zeros((M_DIM,), dtype=jnp.float32)
    # coors_mlp: Linear(16, 64) -> SiLU -> Linear(64, 1)
    cw1 = jax.random.normal(ks[4], (M_DIM, M_DIM * 4), dtype=jnp.float32) * init_eps
    cb1 = jnp.zeros((M_DIM * 4,), dtype=jnp.float32)
    cw2 = jax.random.normal(ks[5], (M_DIM * 4, 1), dtype=jnp.float32) * init_eps
    cb2 = jnp.zeros((1,), dtype=jnp.float32)
    # node_mlp: Linear(144, 256) -> SiLU -> Linear(256, 128)
    nw1 = jax.random.normal(ks[6], (DIM + M_DIM, DIM * 2), dtype=jnp.float32) * init_eps
    nb1 = jnp.zeros((DIM * 2,), dtype=jnp.float32)
    nw2 = jax.random.normal(ks[7], (DIM * 2, DIM), dtype=jnp.float32) * init_eps
    nb2 = jnp.zeros((DIM,), dtype=jnp.float32)
    return {"feats": feats, "coors": coors,
            "ew1": ew1, "eb1": eb1, "ew2": ew2, "eb2": eb2,
            "cw1": cw1, "cb1": cb1, "cw2": cw2, "cb2": cb2,
            "nw1": nw1, "nb1": nb1, "nw2": nw2, "nb2": nb2}


def reference(feats, coors, ew1, eb1, ew2, eb2, cw1, cb1, cw2, cb2, nw1, nb1, nw2, nb2):
    b, n, d = feats.shape
    silu = jax.nn.silu
    # pairwise relative coordinates and squared distances
    rel_coors = coors[:, :, None, :] - coors[:, None, :, :]          # [b, n, n, 3]
    rel_dist = jnp.sum(rel_coors ** 2, axis=-1, keepdims=True)        # [b, n, n, 1]
    # nearest-neighbor selection (topk smallest distance, includes self)
    ranking = rel_dist[..., 0]                                        # [b, n, n]
    _, nbhd_indices = jax.lax.top_k(-ranking, K)                      # [b, n, K]
    rel_coors = jnp.take_along_axis(rel_coors, nbhd_indices[..., None], axis=2)  # [b, n, K, 3]
    rel_dist = jnp.take_along_axis(rel_dist, nbhd_indices[..., None], axis=2)    # [b, n, K, 1]
    # gather neighbor features
    batch_idx = jnp.arange(b)[:, None, None]
    feats_j = feats[batch_idx, nbhd_indices]                          # [b, n, K, d]
    feats_i = jnp.broadcast_to(feats[:, :, None, :], feats_j.shape)   # [b, n, K, d]
    edge_input = jnp.concatenate([feats_i, feats_j, rel_dist], axis=-1)  # [b, n, K, 2d+1]
    # edge MLP
    h = silu(edge_input @ ew1 + eb1)
    m_ij = silu(h @ ew2 + eb2)                                        # [b, n, K, m_dim]
    # coordinate update
    cw = silu(m_ij @ cw1 + cb1) @ cw2 + cb2                           # [b, n, K, 1]
    coor_weights = cw[..., 0]                                         # [b, n, K]
    coors_out = jnp.einsum('bij,bijc->bic', coor_weights, rel_coors) + coors
    # node update (sum pool, no norm)
    m_i = jnp.sum(m_ij, axis=-2)                                      # [b, n, m_dim]
    node_in = jnp.concatenate([feats, m_i], axis=-1)                  # [b, n, d+m_dim]
    node_h = silu(node_in @ nw1 + nb1)
    node_out = node_h @ nw2 + nb2 + feats
    return node_out, coors_out

if __name__ == "__main__":
    import jax
    _d = setup_inputs()
    print(jax.jit(kernel)(*tuple(_d.values())))

</pallas_src>

<mosaic_0001>
#map = affine_map<(d0, d1) -> (0, 0)>
#map1 = affine_map<(d0, d1) -> (0)>
module attributes {stable_mosaic.version = 14 : i64} {
  func.func @_sc_gather_body(%arg0: i32, %arg1: i32, %arg2: memref<4096x128xf32, #tpu.memory_space<hbm>>, %arg3: memref<4096x128xf32, #tpu.memory_space<hbm>>, %arg4: memref<131072xi32, #tpu.memory_space<hbm>>, %arg5: memref<131072x128xf32, #tpu.memory_space<hbm>>, %arg6: memref<131072x128xf32, #tpu.memory_space<hbm>>, %arg7: memref<128xi32, #tpu.memory_space<vmem>>, %arg8: memref<128x128xf32, #tpu.memory_space<vmem>>, %arg9: memref<128x128xf32, #tpu.memory_space<vmem>>, %arg10: memref<!tpu.dma_semaphore, #tpu.memory_space<semaphore_mem>>, %arg11: memref<!tpu.dma_semaphore, #tpu.memory_space<semaphore_mem>>) attributes {dimension_semantics = [#tpu.dimension_semantics<core_parallel>, #tpu.dimension_semantics<subcore_parallel>], iteration_bounds = array<i64: 2, 16>, scalar_prefetch = 0 : i64, scratch_operands = 5 : i64, tpu.core_type = #tpu.core_type<sc_vector_subcore>, window_params = [{transform_indices = #map}, {transform_indices = #map}, {transform_indices = #map1}, {transform_indices = #map}, {transform_indices = #map}]} {
    %mul3A = arith.constant 2 : i32
    %mul3A_0 = arith.muli %arg1, %mul3A : i32
    %add3A = arith.addi %mul3A_0, %arg0 : i32
    %mul3A_1 = arith.constant 4096 : i32
    %mul3A_2 = arith.muli %add3A, %mul3A_1 : i32
    %scan3A = arith.constant 0 : i32
    %scan3A_3 = arith.constant 0 : i32
    %scan3A_4 = arith.constant 32 : i32
    %scan3A_5 = arith.addi %scan3A_3, %scan3A_4 : i32
    %scan3A_6 = arith.constant 1 : i32
    %scan3A_7 = scf.for %scan3A_9 = %scan3A_3 to %scan3A_5 step %scan3A_6 iter_args(%scan3A_10 = %scan3A) -> (i32)  : i32 {
      %mul3A_11 = arith.constant 128 : i32
      %mul3A_12 = arith.muli %scan3A_9, %mul3A_11 : i32
      %add3A_13 = arith.addi %mul3A_2, %mul3A_12 : i32
      "tpu.region"() ({
        %run_scoped3A = tpu.sem_alloc : memref<!tpu.dma_semaphore, #tpu.memory_space<semaphore_mem>>
        %dma_start3A_25 = tpu.memref_slice %arg4[%add3A_13] : memref<131072xi32, #tpu.memory_space<hbm>> -> memref<128xi32, #tpu.memory_space<hbm>>
        %dma_start3A_26 = tpu.memref_slice %arg4[%add3A_13] : memref<131072xi32, #tpu.memory_space<hbm>> -> memref<128xi32, #tpu.memory_space<hbm>>
        tpu.enqueue_dma source(%dma_start3A_26 : memref<128xi32, #tpu.memory_space<hbm>>) target(%arg7 : memref<128xi32, #tpu.memory_space<vmem>>) target_semaphore(%run_scoped3A : memref<!tpu.dma_semaphore, #tpu.memory_space<semaphore_mem>>)
        %dma_wait3A_27 = tpu.memref_slice %arg4[%add3A_13] : memref<131072xi32, #tpu.memory_space<hbm>> -> memref<128xi32, #tpu.memory_space<hbm>>
        %dma_wait3A_28 = tpu.memref_slice %arg4[%add3A_13] : memref<131072xi32, #tpu.memory_space<hbm>> -> memref<128xi32, #tpu.memory_space<hbm>>
        tpu.wait_dma2 semaphore(%run_scoped3A : memref<!tpu.dma_semaphore, #tpu.memory_space<semaphore_mem>>) src(%dma_wait3A_28 : memref<128xi32, #tpu.memory_space<hbm>>) dst(%arg7 : memref<128xi32, #tpu.memory_space<vmem>>)
        tpu.yield
      }) : () -> ()
      %dma_start3A = arith.constant 0 : i32
      %dma_start3A_14 = arith.constant 0 : i32
      %dma_start3A_15 = tpu.memref_slice %arg2[%dma_start3A, %dma_start3A_14] : memref<4096x128xf32, #tpu.memory_space<hbm>> -> memref<4096x128xf32, #tpu.memory_space<hbm>>
      tpu.enqueue_indirect_dma source(%dma_start3A_15 : memref<4096x128xf32, #tpu.memory_space<hbm>>) target(%arg8 : memref<128x128xf32, #tpu.memory_space<vmem>>) offsets(%arg7 : memref<128xi32, #tpu.memory_space<vmem>>) semaphore(%arg10 : memref<!tpu.dma_semaphore, #tpu.memory_space<semaphore_mem>>)
      %dma_start3A_16 = arith.constant 0 : i32
      %dma_start3A_17 = arith.constant 0 : i32
      %dma_start3A_18 = tpu.memref_slice %arg3[%dma_start3A_16, %dma_start3A_17] : memref<4096x128xf32, #tpu.memory_space<hbm>> -> memref<4096x128xf32, #tpu.memory_space<hbm>>
      tpu.enqueue_indirect_dma source(%dma_start3A_18 : memref<4096x128xf32, #tpu.memory_space<hbm>>) target(%arg9 : memref<128x128xf32, #tpu.memory_space<vmem>>) offsets(%arg7 : memref<128xi32, #tpu.memory_space<vmem>>) semaphore(%arg11 : memref<!tpu.dma_semaphore, #tpu.memory_space<semaphore_mem>>)
      %dma_wait3A = arith.constant 0 : i32
      %dma_wait3A_19 = arith.constant 0 : i32
      %dma_wait3A_20 = tpu.memref_slice %arg2[%dma_wait3A, %dma_wait3A_19] : memref<4096x128xf32, #tpu.memory_space<hbm>> -> memref<4096x128xf32, #tpu.memory_space<hbm>>
      tpu.wait_indirect_dma semaphore(%arg10 : memref<!tpu.dma_semaphore, #tpu.memory_space<semaphore_mem>>) src(%dma_wait3A_20 : memref<4096x128xf32, #tpu.memory_space<hbm>>) dst(%arg8 : memref<128x128xf32, #tpu.memory_space<vmem>>)
      %dma_wait3A_21 = arith.constant 0 : i32
      %dma_wait3A_22 = arith.constant 0 : i32
      %dma_wait3A_23 = tpu.memref_slice %arg3[%dma_wait3A_21, %dma_wait3A_22] : memref<4096x128xf32, #tpu.memory_space<hbm>> -> memref<4096x128xf32, #tpu.memory_space<hbm>>
      tpu.wait_indirect_dma semaphore(%arg11 : memref<!tpu.dma_semaphore, #tpu.memory_space<semaphore_mem>>) src(%dma_wait3A_23 : memref<4096x128xf32, #tpu.memory_space<hbm>>) dst(%arg9 : memref<128x128xf32, #tpu.memory_space<vmem>>)
      "tpu.region"() ({
        %run_scoped3A = tpu.sem_alloc : memref<!tpu.dma_semaphore, #tpu.memory_space<semaphore_mem>>
        %dma_start3A_25 = arith.constant 0 : i32
        %dma_start3A_26 = tpu.memref_slice %arg5[%add3A_13, %dma_start3A_25] : memref<131072x128xf32, #tpu.memory_space<hbm>> -> memref<128x128xf32, #tpu.memory_space<hbm>>
        %dma_start3A_27 = arith.constant 0 : i32
        %dma_start3A_28 = tpu.memref_slice %arg5[%add3A_13, %dma_start3A_27] : memref<131072x128xf32, #tpu.memory_space<hbm>> -> memref<128x128xf32, #tpu.memory_space<hbm>>
        tpu.enqueue_dma source(%arg8 : memref<128x128xf32, #tpu.memory_space<vmem>>) target(%dma_start3A_28 : memref<128x128xf32, #tpu.memory_space<hbm>>) target_semaphore(%run_scoped3A : memref<!tpu.dma_semaphore, #tpu.memory_space<semaphore_mem>>)
        %dma_wait3A_29 = arith.constant 0 : i32
        %dma_wait3A_30 = tpu.memref_slice %arg5[%add3A_13, %dma_wait3A_29] : memref<131072x128xf32, #tpu.memory_space<hbm>> -> memref<128x128xf32, #tpu.memory_space<hbm>>
        %dma_wait3A_31 = arith.constant 0 : i32
        %dma_wait3A_32 = tpu.memref_slice %arg5[%add3A_13, %dma_wait3A_31] : memref<131072x128xf32, #tpu.memory_space<hbm>> -> memref<128x128xf32, #tpu.memory_space<hbm>>
        tpu.wait_dma2 semaphore(%run_scoped3A : memref<!tpu.dma_semaphore, #tpu.memory_space<semaphore_mem>>) src(%arg8 : memref<128x128xf32, #tpu.memory_space<vmem>>) dst(%dma_wait3A_32 : memref<128x128xf32, #tpu.memory_space<hbm>>)
        tpu.yield
      }) : () -> ()
      "tpu.region"() ({
        %run_scoped3A = tpu.sem_alloc : memref<!tpu.dma_semaphore, #tpu.memory_space<semaphore_mem>>
        %dma_start3A_25 = arith.constant 0 : i32
        %dma_start3A_26 = tpu.memref_slice %arg6[%add3A_13, %dma_start3A_25] : memref<131072x128xf32, #tpu.memory_space<hbm>> -> memref<128x128xf32, #tpu.memory_space<hbm>>
        %dma_start3A_27 = arith.constant 0 : i32
        %dma_start3A_28 = tpu.memref_slice %arg6[%add3A_13, %dma_start3A_27] : memref<131072x128xf32, #tpu.memory_space<hbm>> -> memref<128x128xf32, #tpu.memory_space<hbm>>
        tpu.enqueue_dma source(%arg9 : memref<128x128xf32, #tpu.memory_space<vmem>>) target(%dma_start3A_28 : memref<128x128xf32, #tpu.memory_space<hbm>>) target_semaphore(%run_scoped3A : memref<!tpu.dma_semaphore, #tpu.memory_space<semaphore_mem>>)
        %dma_wait3A_29 = arith.constant 0 : i32
        %dma_wait3A_30 = tpu.memref_slice %arg6[%add3A_13, %dma_wait3A_29] : memref<131072x128xf32, #tpu.memory_space<hbm>> -> memref<128x128xf32, #tpu.memory_space<hbm>>
        %dma_wait3A_31 = arith.constant 0 : i32
        %dma_wait3A_32 = tpu.memref_slice %arg6[%add3A_13, %dma_wait3A_31] : memref<131072x128xf32, #tpu.memory_space<hbm>> -> memref<128x128xf32, #tpu.memory_space<hbm>>
        tpu.wait_dma2 semaphore(%run_scoped3A : memref<!tpu.dma_semaphore, #tpu.memory_space<semaphore_mem>>) src(%arg9 : memref<128x128xf32, #tpu.memory_space<vmem>>) dst(%dma_wait3A_32 : memref<128x128xf32, #tpu.memory_space<hbm>>)
        tpu.yield
      }) : () -> ()
      %scan3A_24 = arith.constant 0 : i32
      scf.yield %scan3A_24 : i32
    }
    %scan3A_8 = arith.constant 32 : i32
    return
  }
}

module attributes {stable_mosaic.version = 14 : i64} {
  func.func @_topk_body(%arg0: i32, %arg1: memref<256x3xf32, #tpu.memory_space<vmem>>, %arg2: memref<3x4096xf32, #tpu.memory_space<vmem>>, %arg3: memref<256x32xi32, #tpu.memory_space<vmem>>, %arg4: memref<256x32xf32, #tpu.memory_space<vmem>>, %arg5: memref<256x4096xf32, #tpu.memory_space<vmem>>) attributes {dimension_semantics = [#tpu.dimension_semantics<arbitrary>], iteration_bounds = array<i64: 16>, scalar_prefetch = 0 : i64, scratch_operands = 1 : i64, tpu.core_type = #tpu.core_type<tc>, window_params = [{transform_indices = @transform_0, window_bounds = array<i64: 256, 3>}, {pipeline_mode = #tpu.pipeline_mode<synchronous>, transform_indices = @transform_1, window_bounds = array<i64: 3, 4096>}, {transform_indices = @transform_2, window_bounds = array<i64: 256, 32>}, {transform_indices = @transform_3, window_bounds = array<i64: 256, 32>}]} {
    %get3A = arith.constant 0 : index
    %get3A_0 = arith.constant 0 : index
    %get3A_1 = vector.load %arg1[%get3A, %get3A_0] : memref<256x3xf32, #tpu.memory_space<vmem>>, vector<256x3xf32>
    %slice3A = vector.extract_strided_slice %get3A_1 {offsets = [0, 0], sizes = [256, 1], strides = [1, 1]} : vector<256x3xf32> to vector<256x1xf32>
    %get3A_2 = arith.constant 0 : index
    %get3A_3 = arith.constant 0 : index
    %get3A_4 = vector.load %arg2[%get3A_2, %get3A_3] : memref<3x4096xf32, #tpu.memory_space<vmem>>, vector<1x4096xf32>
    %sub3A = vector.broadcast %slice3A : vector<256x1xf32> to vector<256x4096xf32>
    %sub3A_5 = vector.broadcast %get3A_4 : vector<1x4096xf32> to vector<256x4096xf32>
    %sub3A_6 = arith.subf %sub3A, %sub3A_5 : vector<256x4096xf32>
    %mul3A = arith.mulf %sub3A_6, %sub3A_6 : vector<256x4096xf32>
    %slice3A_7 = vector.extract_strided_slice %get3A_1 {offsets = [0, 1], sizes = [256, 1], strides = [1, 1]} : vector<256x3xf32> to vector<256x1xf32>
    %get3A_8 = arith.constant 1 : index
    %get3A_9 = arith.constant 0 : index
    %get3A_10 = vector.load %arg2[%get3A_8, %get3A_9] : memref<3x4096xf32, #tpu.memory_space<vmem>>, vector<1x4096xf32>
    %sub3A_11 = vector.broadcast %slice3A_7 : vector<256x1xf32> to vector<256x4096xf32>
    %sub3A_12 = vector.broadcast %get3A_10 : vector<1x4096xf32> to vector<256x4096xf32>
    %sub3A_13 = arith.subf %sub3A_11, %sub3A_12 : vector<256x4096xf32>
    %mul3A_14 = arith.mulf %sub3A_13, %sub3A_13 : vector<256x4096xf32>
    %add3A = arith.addf %mul3A, %mul3A_14 : vector<256x4096xf32>
    %slice3A_15 = vector.extract_strided_slice %get3A_1 {offsets = [0, 2], sizes = [256, 1], strides = [1, 1]} : vector<256x3xf32> to vector<256x1xf32>
    %get3A_16 = arith.constant 2 : index
    %get3A_17 = arith.constant 0 : index
    %get3A_18 = vector.load %arg2[%get3A_16, %get3A_17] : memref<3x4096xf32, #tpu.memory_space<vmem>>, vector<1x4096xf32>
    %sub3A_19 = vector.broadcast %slice3A_15 : vector<256x1xf32> to vector<256x4096xf32>
    %sub3A_20 = vector.broadcast %get3A_18 : vector<1x4096xf32> to vector<256x4096xf32>
    %sub3A_21 = arith.subf %sub3A_19, %sub3A_20 : vector<256x4096xf32>
    %mul3A_22 = arith.mulf %sub3A_21, %sub3A_21 : vector<256x4096xf32>
    %add3A_23 = arith.addf %add3A, %mul3A_22 : vector<256x4096xf32>
    %swap3A = arith.constant 0 : index
    %swap3A_24 = arith.constant 0 : index
    %swap3A_25 = vector.load %arg5[%swap3A, %swap3A_24] : memref<256x4096xf32, #tpu.memory_space<vmem>>, vector<256x4096xf32>
    tpu.vector_store %arg5[%swap3A, %swap3A_24], %add3A_23 {strides = array<i32>} : memref<256x4096xf32, #tpu.memory_space<vmem>>, vector<256x4096xf32>,
    %iota3A = tpu.iota {dimensions = array<i32: 1>} : vector<256x4096xi32>
    %iota3A_26 = tpu.iota {dimensions = array<i32: 1>} : vector<256x32xi32>
    %scan3A = arith.constant 0 : i32
    %scan3A_27 = arith.constant 32 : i32
    %scan3A_28 = arith.addi %scan3A, %scan3A_27 : i32
    %scan3A_29 = arith.constant 1 : i32
    scf.for %scan3A_31 = %scan3A to %scan3A_28 step %scan3A_29  : i32 {
      %get3A_32 = arith.constant 0 : index
      %get3A_33 = arith.constant 0 : index
      %get3A_34 = vector.load %arg5[%get3A_32, %get3A_33] : memref<256x4096xf32, #tpu.memory_space<vmem>>, vector<256x4096xf32>
      %reduce_min3A = arith.constant dense<0x7F800000> : vector<256xf32>
      %reduce_min3A_35 = vector.multi_reduction <minimumf>, %get3A_34, %reduce_min3A [1] : vector<256x4096xf32> to vector<256xf32>
      %broadcast_in_dim3A = vector.shape_cast %reduce_min3A_35 : vector<256xf32> to vector<256x1xf32>
      %eq3A = vector.broadcast %broadcast_in_dim3A : vector<256x1xf32> to vector<256x4096xf32>
      %eq3A_36 = arith.cmpf oeq, %get3A_34, %eq3A : vector<256x4096xf32>
      %jit3A = arith.constant 4096 : i32
      %broadcast_in_dim3A_37 = vector.broadcast %jit3A : i32 to vector<256x4096xi32>
      %select_n3A = arith.select %eq3A_36, %iota3A, %broadcast_in_dim3A_37 : vector<256x4096xi1>, vector<256x4096xi32>
      %reduce_min3A_38 = arith.constant dense<2147483647> : vector<256xi32>
      %reduce_min3A_39 = vector.multi_reduction <minsi>, %select_n3A, %reduce_min3A_38 [1] : vector<256x4096xi32> to vector<256xi32>
      %broadcast_in_dim3A_40 = vector.shape_cast %reduce_min3A_39 : vector<256xi32> to vector<256x1xi32>
      %eq3A_41 = vector.broadcast %scan3A_31 : i32 to vector<256x32xi32>
      %eq3A_42 = arith.cmpi eq, %iota3A_26, %eq3A_41 : vector<256x32xi32>
      %get3A_43 = arith.constant 0 : index
      %get3A_44 = arith.constant 0 : index
      %get3A_45 = vector.load %arg3[%get3A_43, %get3A_44] : memref<256x32xi32, #tpu.memory_space<vmem>>, vector<256x32xi32>
      %broadcast_in_dim3A_46 = vector.shape_cast %broadcast_in_dim3A_40 : vector<256x1xi32> to vector<256x1xi32>
      %broadcast_in_dim3A_47 = vector.broadcast %broadcast_in_dim3A_46 : vector<256x1xi32> to vector<256x32xi32>
      %select_n3A_48 = arith.select %eq3A_42, %broadcast_in_dim3A_47, %get3A_45 : vector<256x32xi1>, vector<256x32xi32>
      %swap3A_49 = arith.constant 0 : index
      %swap3A_50 = arith.constant 0 : index
      %swap3A_51 = vector.load %arg3[%swap3A_49, %swap3A_50] : memref<256x32xi32, #tpu.memory_space<vmem>>, vector<256x32xi32>
      tpu.vector_store %arg3[%swap3A_49, %swap3A_50], %select_n3A_48 {strides = array<i32>} : memref<256x32xi32, #tpu.memory_space<vmem>>, vector<256x32xi32>,
      %eq3A_52 = vector.broadcast %scan3A_31 : i32 to vector<256x32xi32>
      %eq3A_53 = arith.cmpi eq, %iota3A_26, %eq3A_52 : vector<256x32xi32>
      %get3A_54 = arith.constant 0 : index
      %get3A_55 = arith.constant 0 : index
      %get3A_56 = vector.load %arg4[%get3A_54, %get3A_55] : memref<256x32xf32, #tpu.memory_space<vmem>>, vector<256x32xf32>
      %broadcast_in_dim3A_57 = vector.shape_cast %broadcast_in_dim3A : vector<256x1xf32> to vector<256x1xf32>
      %broadcast_in_dim3A_58 = vector.broadcast %broadcast_in_dim3A_57 : vector<256x1xf32> to vector<256x32xf32>
      %select_n3A_59 = arith.select %eq3A_53, %broadcast_in_dim3A_58, %get3A_56 : vector<256x32xi1>, vector<256x32xf32>
      %swap3A_60 = arith.constant 0 : index
      %swap3A_61 = arith.constant 0 : index
      %swap3A_62 = vector.load %arg4[%swap3A_60, %swap3A_61] : memref<256x32xf32, #tpu.memory_space<vmem>>, vector<256x32xf32>
      tpu.vector_store %arg4[%swap3A_60, %swap3A_61], %select_n3A_59 {strides = array<i32>} : memref<256x32xf32, #tpu.memory_space<vmem>>, vector<256x32xf32>,
      %eq3A_63 = vector.broadcast %broadcast_in_dim3A_40 : vector<256x1xi32> to vector<256x4096xi32>
      %eq3A_64 = arith.cmpi eq, %iota3A, %eq3A_63 : vector<256x4096xi32>
      %jit3A_65 = arith.constant 0x7F800000 : f32
      %broadcast_in_dim3A_66 = vector.broadcast %jit3A_65 : f32 to vector<256x4096xf32>
      %select_n3A_67 = arith.select %eq3A_64, %broadcast_in_dim3A_66, %get3A_34 : vector<256x4096xi1>, vector<256x4096xf32>
      %swap3A_68 = arith.constant 0 : index
      %swap3A_69 = arith.constant 0 : index
      %swap3A_70 = vector.load %arg5[%swap3A_68, %swap3A_69] : memref<256x4096xf32, #tpu.memory_space<vmem>>, vector<256x4096xf32>
      tpu.vector_store %arg5[%swap3A_68, %swap3A_69], %select_n3A_67 {strides = array<i32>} : memref<256x4096xf32, #tpu.memory_space<vmem>>, vector<256x4096xf32>,
    }
    %scan3A_30 = arith.constant 32 : i32
    return
  }
  func.func @transform_0(%arg0: i32) -> (i32, i32) {
    %c0_i32 = arith.constant 0 : i32
    %c0_i32_0 = arith.constant 0 : i32
    return %arg0, %c0_i32 : i32, i32
  }
  func.func @transform_1(%arg0: i32) -> (i32, i32) {
    %c0_i32 = arith.constant 0 : i32
    %c0_i32_0 = arith.constant 0 : i32
    %c0_i32_1 = arith.constant 0 : i32
    return %c0_i32, %c0_i32_0 : i32, i32
  }
  func.func @transform_2(%arg0: i32) -> (i32, i32) {
    %c0_i32 = arith.constant 0 : i32
    %c0_i32_0 = arith.constant 0 : i32
    return %arg0, %c0_i32 : i32, i32
  }
  func.func @transform_3(%arg0: i32) -> (i32, i32) {
    %c0_i32 = arith.constant 0 : i32
    %c0_i32_0 = arith.constant 0 : i32
    return %arg0, %c0_i32 : i32, i32
  }
}

module attributes {stable_mosaic.version = 14 : i64} {
  func.func @_fused_body(%arg0: i32, %arg1: memref<32x128xf32, #tpu.memory_space<vmem>>, %arg2: memref<1024x128xf32, #tpu.memory_space<vmem>>, %arg3: memref<1024x128xf32, #tpu.memory_space<vmem>>, %arg4: memref<1024x1xf32, #tpu.memory_space<vmem>>, %arg5: memref<32x3xf32, #tpu.memory_space<vmem>>, %arg6: memref<128x514xf32, #tpu.memory_space<vmem>>, %arg7: memref<128x514xf32, #tpu.memory_space<vmem>>, %arg8: memref<1x514xf32, #tpu.memory_space<vmem>>, %arg9: memref<1x514xf32, #tpu.memory_space<vmem>>, %arg10: memref<514x16xf32, #tpu.memory_space<vmem>>, %arg11: memref<1x16xf32, #tpu.memory_space<vmem>>, %arg12: memref<16x64xf32, #tpu.memory_space<vmem>>, %arg13: memref<1x64xf32, #tpu.memory_space<vmem>>, %arg14: memref<64x1xf32, #tpu.memory_space<vmem>>, %arg15: memref<1x1xf32, #tpu.memory_space<vmem>>, %arg16: memref<128x256xf32, #tpu.memory_space<vmem>>, %arg17: memref<16x256xf32, #tpu.memory_space<vmem>>, %arg18: memref<1x256xf32, #tpu.memory_space<vmem>>, %arg19: memref<256x128xf32, #tpu.memory_space<vmem>>, %arg20: memref<1x128xf32, #tpu.memory_space<vmem>>, %arg21: memref<32x128xf32, #tpu.memory_space<vmem>>, %arg22: memref<32x3xf32, #tpu.memory_space<vmem>>) attributes {dimension_semantics = [#tpu.dimension_semantics<arbitrary>], iteration_bounds = array<i64: 128>, scalar_prefetch = 0 : i64, scratch_operands = 0 : i64, tpu.core_type = #tpu.core_type<tc>, window_params = [{transform_indices = @transform_0, window_bounds = array<i64: 32, 128>}, {transform_indices = @transform_1, window_bounds = array<i64: 1024, 128>}, {transform_indices = @transform_2, window_bounds = array<i64: 1024, 128>}, {transform_indices = @transform_3, window_bounds = array<i64: 1024, 1>}, {transform_indices = @transform_4, window_bounds = array<i64: 32, 3>}, {pipeline_mode = #tpu.pipeline_mode<synchronous>, transform_indices = @transform_5, window_bounds = array<i64: 128, 514>}, {pipeline_mode = #tpu.pipeline_mode<synchronous>, transform_indices = @transform_6, window_bounds = array<i64: 128, 514>}, {pipeline_mode = #tpu.pipeline_mode<synchronous>, transform_indices = @transform_7, window_bounds = array<i64: 1, 514>}, {pipeline_mode = #tpu.pipeline_mode<synchronous>, transform_indices = @transform_8, window_bounds = array<i64: 1, 514>}, {pipeline_mode = #tpu.pipeline_mode<synchronous>, transform_indices = @transform_9, window_bounds = array<i64: 514, 16>}, {pipeline_mode = #tpu.pipeline_mode<synchronous>, transform_indices = @transform_10, window_bounds = array<i64: 1, 16>}, {pipeline_mode = #tpu.pipeline_mode<synchronous>, transform_indices = @transform_11, window_bounds = array<i64: 16, 64>}, {pipeline_mode = #tpu.pipeline_mode<synchronous>, transform_indices = @transform_12, window_bounds = array<i64: 1, 64>}, {pipeline_mode = #tpu.pipeline_mode<synchronous>, transform_indices = @transform_13, window_bounds = array<i64: 64, 1>}, {pipeline_mode = #tpu.pipeline_mode<synchronous>, transform_indices = @transform_14, window_bounds = array<i64: 1, 1>}, {pipeline_mode = #tpu.pipeline_mode<synchronous>, transform_indices = @transform_15, window_bounds = array<i64: 128, 256>}, {pipeline_mode = #tpu.pipeline_mode<synchronous>, transform_indices = @transform_16, window_bounds = array<i64: 16, 256>}, {pipeline_mode = #tpu.pipeline_mode<synchronous>, transform_indices = @transform_17, window_bounds = array<i64: 1, 256>}, {pipeline_mode = #tpu.pipeline_mode<synchronous>, transform_indices = @transform_18, window_bounds = array<i64: 256, 128>}, {pipeline_mode = #tpu.pipeline_mode<synchronous>, transform_indices = @transform_19, window_bounds = array<i64: 1, 128>}, {transform_indices = @transform_20, window_bounds = array<i64: 32, 128>}, {transform_indices = @transform_21, window_bounds = array<i64: 32, 3>}]} {
    %get3A = arith.constant 0 : index
    %get3A_0 = arith.constant 0 : index
    %get3A_1 = vector.load %arg1[%get3A, %get3A_0] : memref<32x128xf32, #tpu.memory_space<vmem>>, vector<32x128xf32>
    %get3A_2 = arith.constant 0 : index
    %get3A_3 = arith.constant 0 : index
    %get3A_4 = vector.load %arg6[%get3A_2, %get3A_3] : memref<128x514xf32, #tpu.memory_space<vmem>>, vector<128x514xf32>
    %dot_general3A = arith.constant dense<0.000000e+00> : vector<32x514xf32>
    %dot_general3A_5 = tpu.matmul %get3A_1, %get3A_4, %dot_general3A {dimension_numbers = #tpu.dot_dimension_numbers<[1], [0], [0], [1], [0, 0, 1, 1], [], []>, transpose_lhs_hint = false} : vector<32x128xf32>, vector<128x514xf32>, vector<32x514xf32> -> vector<32x514xf32>
    %get3A_6 = arith.constant 0 : index
    %get3A_7 = arith.constant 0 : index
    %get3A_8 = vector.load %arg2[%get3A_6, %get3A_7] : memref<1024x128xf32, #tpu.memory_space<vmem>>, vector<1024x128xf32>
    %get3A_9 = arith.constant 0 : index
    %get3A_10 = arith.constant 0 : index
    %get3A_11 = vector.load %arg7[%get3A_9, %get3A_10] : memref<128x514xf32, #tpu.memory_space<vmem>>, vector<128x514xf32>
    %dot_general3A_12 = arith.constant dense<0.000000e+00> : vector<1024x514xf32>
    %dot_general3A_13 = tpu.matmul %get3A_8, %get3A_11, %dot_general3A_12 {dimension_numbers = #tpu.dot_dimension_numbers<[1], [0], [0], [1], [0, 0, 1, 1], [], []>, transpose_lhs_hint = false} : vector<1024x128xf32>, vector<128x514xf32>, vector<1024x514xf32> -> vector<1024x514xf32>
    %reshape3A = vector.shape_cast %dot_general3A_13 : vector<1024x514xf32> to vector<32x32x514xf32>
    %broadcast_in_dim3A = vector.shape_cast %dot_general3A_5 : vector<32x514xf32> to vector<32x1x514xf32>
    %add3A = vector.broadcast %broadcast_in_dim3A : vector<32x1x514xf32> to vector<32x32x514xf32>
    %add3A_14 = arith.addf %reshape3A, %add3A : vector<32x32x514xf32>
    %get3A_15 = arith.constant 0 : index
    %get3A_16 = arith.constant 0 : index
    %get3A_17 = vector.load %arg4[%get3A_15, %get3A_16] : memref<1024x1xf32, #tpu.memory_space<vmem>>, vector<1024x1xf32>
    %reshape3A_18 = vector.shape_cast %get3A_17 : vector<1024x1xf32> to vector<32x32x1xf32>
    %get3A_19 = arith.constant 0 : index
    %get3A_20 = arith.constant 0 : index
    %get3A_21 = vector.load %arg8[%get3A_19, %get3A_20] : memref<1x514xf32, #tpu.memory_space<vmem>>, vector<1x514xf32>
    %broadcast_in_dim3A_22 = vector.shape_cast %get3A_21 : vector<1x514xf32> to vector<1x1x514xf32>
    %mul3A = vector.broadcast %reshape3A_18 : vector<32x32x1xf32> to vector<32x32x514xf32>
    %mul3A_23 = vector.broadcast %broadcast_in_dim3A_22 : vector<1x1x514xf32> to vector<32x32x514xf32>
    %mul3A_24 = arith.mulf %mul3A, %mul3A_23 : vector<32x32x514xf32>
    %add3A_25 = arith.addf %add3A_14, %mul3A_24 : vector<32x32x514xf32>
    %get3A_26 = arith.constant 0 : index
    %get3A_27 = arith.constant 0 : index
    %get3A_28 = vector.load %arg9[%get3A_26, %get3A_27] : memref<1x514xf32, #tpu.memory_space<vmem>>, vector<1x514xf32>
    %broadcast_in_dim3A_29 = vector.shape_cast %get3A_28 : vector<1x514xf32> to vector<1x1x514xf32>
    %add3A_30 = vector.broadcast %broadcast_in_dim3A_29 : vector<1x1x514xf32> to vector<32x32x514xf32>
    %add3A_31 = arith.addf %add3A_25, %add3A_30 : vector<32x32x514xf32>
    %logistic3A = arith.negf %add3A_31 : vector<32x32x514xf32>
    %logistic3A_32 = math.exp %logistic3A : vector<32x32x514xf32>
    %logistic3A_33 = arith.constant 1.000000e+00 : f32
    %logistic3A_34 = vector.broadcast %logistic3A_33 : f32 to vector<32x32x514xf32>
    %logistic3A_35 = arith.addf %logistic3A_34, %logistic3A_32 : vector<32x32x514xf32>
    %logistic3A_36 = arith.divf %logistic3A_34, %logistic3A_35 : vector<32x32x514xf32>
    %mul3A_37 = arith.mulf %add3A_31, %logistic3A_36 : vector<32x32x514xf32>
    %reshape3A_38 = vector.shape_cast %mul3A_37 : vector<32x32x514xf32> to vector<1024x514xf32>
    %get3A_39 = arith.constant 0 : index
    %get3A_40 = arith.constant 0 : index
    %get3A_41 = vector.load %arg10[%get3A_39, %get3A_40] : memref<514x16xf32, #tpu.memory_space<vmem>>, vector<514x16xf32>
    %dot_general3A_42 = arith.constant dense<0.000000e+00> : vector<1024x16xf32>
    %dot_general3A_43 = tpu.matmul %reshape3A_38, %get3A_41, %dot_general3A_42 {dimension_numbers = #tpu.dot_dimension_numbers<[1], [0], [0], [1], [0, 0, 1, 1], [], []>, transpose_lhs_hint = false} : vector<1024x514xf32>, vector<514x16xf32>, vector<1024x16xf32> -> vector<1024x16xf32>
    %get3A_44 = arith.constant 0 : index
    %get3A_45 = arith.constant 0 : index
    %get3A_46 = vector.load %arg11[%get3A_44, %get3A_45] : memref<1x16xf32, #tpu.memory_space<vmem>>, vector<1x16xf32>
    %add3A_47 = vector.broadcast %get3A_46 : vector<1x16xf32> to vector<1024x16xf32>
    %add3A_48 = arith.addf %dot_general3A_43, %add3A_47 : vector<1024x16xf32>
    %logistic3A_49 = arith.negf %add3A_48 : vector<1024x16xf32>
    %logistic3A_50 = math.exp %logistic3A_49 : vector<1024x16xf32>
    %logistic3A_51 = arith.constant 1.000000e+00 : f32
    %logistic3A_52 = vector.broadcast %logistic3A_51 : f32 to vector<1024x16xf32>
    %logistic3A_53 = arith.addf %logistic3A_52, %logistic3A_50 : vector<1024x16xf32>
    %logistic3A_54 = arith.divf %logistic3A_52, %logistic3A_53 : vector<1024x16xf32>
    %mul3A_55 = arith.mulf %add3A_48, %logistic3A_54 : vector<1024x16xf32>
    %get3A_56 = arith.constant 0 : index
    %get3A_57 = arith.constant 0 : index
    %get3A_58 = vector.load %arg12[%get3A_56, %get3A_57] : memref<16x64xf32, #tpu.memory_space<vmem>>, vector<16x64xf32>
    %dot_general3A_59 = arith.constant dense<0.000000e+00> : vector<1024x64xf32>
    %dot_general3A_60 = tpu.matmul %mul3A_55, %get3A_58, %dot_general3A_59 {dimension_numbers = #tpu.dot_dimension_numbers<[1], [0], [0], [1], [0, 0, 1, 1], [], []>, transpose_lhs_hint = false} : vector<1024x16xf32>, vector<16x64xf32>, vector<1024x64xf32> -> vector<1024x64xf32>
    %get3A_61 = arith.constant 0 : index
    %get3A_62 = arith.constant 0 : index
    %get3A_63 = vector.load %arg13[%get3A_61, %get3A_62] : memref<1x64xf32, #tpu.memory_space<vmem>>, vector<1x64xf32>
    %add3A_64 = vector.broadcast %get3A_63 : vector<1x64xf32> to vector<1024x64xf32>
    %add3A_65 = arith.addf %dot_general3A_60, %add3A_64 : vector<1024x64xf32>
    %logistic3A_66 = arith.negf %add3A_65 : vector<1024x64xf32>
    %logistic3A_67 = math.exp %logistic3A_66 : vector<1024x64xf32>
    %logistic3A_68 = arith.constant 1.000000e+00 : f32
    %logistic3A_69 = vector.broadcast %logistic3A_68 : f32 to vector<1024x64xf32>
    %logistic3A_70 = arith.addf %logistic3A_69, %logistic3A_67 : vector<1024x64xf32>
    %logistic3A_71 = arith.divf %logistic3A_69, %logistic3A_70 : vector<1024x64xf32>
    %mul3A_72 = arith.mulf %add3A_65, %logistic3A_71 : vector<1024x64xf32>
    %get3A_73 = arith.constant 0 : index
    %get3A_74 = arith.constant 0 : index
    %get3A_75 = vector.load %arg14[%get3A_73, %get3A_74] : memref<64x1xf32, #tpu.memory_space<vmem>>, vector<64x1xf32>
    %dot_general3A_76 = arith.constant dense<0.000000e+00> : vector<1024x1xf32>
    %dot_general3A_77 = tpu.matmul %mul3A_72, %get3A_75, %dot_general3A_76 {dimension_numbers = #tpu.dot_dimension_numbers<[1], [0], [0], [1], [0, 0, 1, 1], [], []>, transpose_lhs_hint = false} : vector<1024x64xf32>, vector<64x1xf32>, vector<1024x1xf32> -> vector<1024x1xf32>
    %get3A_78 = arith.constant 0 : index
    %get3A_79 = arith.constant 0 : index
    %get3A_80 = vector.load %arg15[%get3A_78, %get3A_79] : memref<1x1xf32, #tpu.memory_space<vmem>>, vector<1x1xf32>
    %add3A_81 = vector.broadcast %get3A_80 : vector<1x1xf32> to vector<1024x1xf32>
    %add3A_82 = arith.addf %dot_general3A_77, %add3A_81 : vector<1024x1xf32>
    %reshape3A_83 = vector.shape_cast %add3A_82 : vector<1024x1xf32> to vector<32x32x1xf32>
    %get3A_84 = arith.constant 0 : index
    %get3A_85 = arith.constant 0 : index
    %get3A_86 = vector.load %arg3[%get3A_84, %get3A_85] : memref<1024x128xf32, #tpu.memory_space<vmem>>, vector<1024x128xf32>
    %reshape3A_87 = vector.shape_cast %get3A_86 : vector<1024x128xf32> to vector<32x32x128xf32>
    %slice3A = vector.extract_strided_slice %reshape3A_87 {offsets = [0, 0, 0], sizes = [32, 32, 3], strides = [1, 1, 1]} : vector<32x32x128xf32> to vector<32x32x3xf32>
    %get3A_88 = arith.constant 0 : index
    %get3A_89 = arith.constant 0 : index
    %get3A_90 = vector.load %arg5[%get3A_88, %get3A_89] : memref<32x3xf32, #tpu.memory_space<vmem>>, vector<32x3xf32>
    %broadcast_in_dim3A_91 = vector.shape_cast %get3A_90 : vector<32x3xf32> to vector<32x1x3xf32>
    %sub3A = vector.broadcast %broadcast_in_dim3A_91 : vector<32x1x3xf32> to vector<32x32x3xf32>
    %sub3A_92 = arith.subf %sub3A, %slice3A : vector<32x32x3xf32>
    %mul3A_93 = vector.broadcast %reshape3A_83 : vector<32x32x1xf32> to vector<32x32x3xf32>
    %mul3A_94 = arith.mulf %mul3A_93, %sub3A_92 : vector<32x32x3xf32>
    %reduce_sum3A = arith.constant dense<0.000000e+00> : vector<32x3xf32>
    %reduce_sum3A_95 = vector.multi_reduction <add>, %mul3A_94, %reduce_sum3A [1] : vector<32x32x3xf32> to vector<32x3xf32>
    %add3A_96 = arith.addf %reduce_sum3A_95, %get3A_90 : vector<32x3xf32>
    %swap3A = arith.constant 0 : index
    %swap3A_97 = arith.constant 0 : index
    %swap3A_98 = vector.load %arg22[%swap3A, %swap3A_97] : memref<32x3xf32, #tpu.memory_space<vmem>>, vector<32x3xf32>
    tpu.vector_store %arg22[%swap3A, %swap3A_97], %add3A_96 {strides = array<i32>} : memref<32x3xf32, #tpu.memory_space<vmem>>, vector<32x3xf32>,
    %reshape3A_99 = vector.shape_cast %mul3A_55 : vector<1024x16xf32> to vector<32x32x16xf32>
    %reduce_sum3A_100 = arith.constant dense<0.000000e+00> : vector<32x16xf32>
    %reduce_sum3A_101 = vector.multi_reduction <add>, %reshape3A_99, %reduce_sum3A_100 [1] : vector<32x32x16xf32> to vector<32x16xf32>
    %get3A_102 = arith.constant 0 : index
    %get3A_103 = arith.constant 0 : index
    %get3A_104 = vector.load %arg16[%get3A_102, %get3A_103] : memref<128x256xf32, #tpu.memory_space<vmem>>, vector<128x256xf32>
    %dot_general3A_105 = arith.constant dense<0.000000e+00> : vector<32x256xf32>
    %dot_general3A_106 = tpu.matmul %get3A_1, %get3A_104, %dot_general3A_105 {dimension_numbers = #tpu.dot_dimension_numbers<[1], [0], [0], [1], [0, 0, 1, 1], [], []>, transpose_lhs_hint = false} : vector<32x128xf32>, vector<128x256xf32>, vector<32x256xf32> -> vector<32x256xf32>
    %get3A_107 = arith.constant 0 : index
    %get3A_108 = arith.constant 0 : index
    %get3A_109 = vector.load %arg17[%get3A_107, %get3A_108] : memref<16x256xf32, #tpu.memory_space<vmem>>, vector<16x256xf32>
    %dot_general3A_110 = arith.constant dense<0.000000e+00> : vector<32x256xf32>
    %dot_general3A_111 = tpu.matmul %reduce_sum3A_101, %get3A_109, %dot_general3A_110 {dimension_numbers = #tpu.dot_dimension_numbers<[1], [0], [0], [1], [0, 0, 1, 1], [], []>, transpose_lhs_hint = false} : vector<32x16xf32>, vector<16x256xf32>, vector<32x256xf32> -> vector<32x256xf32>
    %add3A_112 = arith.addf %dot_general3A_106, %dot_general3A_111 : vector<32x256xf32>
    %get3A_113 = arith.constant 0 : index
    %get3A_114 = arith.constant 0 : index
    %get3A_115 = vector.load %arg18[%get3A_113, %get3A_114] : memref<1x256xf32, #tpu.memory_space<vmem>>, vector<1x256xf32>
    %add3A_116 = vector.broadcast %get3A_115 : vector<1x256xf32> to vector<32x256xf32>
    %add3A_117 = arith.addf %add3A_112, %add3A_116 : vector<32x256xf32>
    %logistic3A_118 = arith.negf %add3A_117 : vector<32x256xf32>
    %logistic3A_119 = math.exp %logistic3A_118 : vector<32x256xf32>
    %logistic3A_120 = arith.constant 1.000000e+00 : f32
    %logistic3A_121 = vector.broadcast %logistic3A_120 : f32 to vector<32x256xf32>
    %logistic3A_122 = arith.addf %logistic3A_121, %logistic3A_119 : vector<32x256xf32>
    %logistic3A_123 = arith.divf %logistic3A_121, %logistic3A_122 : vector<32x256xf32>
    %mul3A_124 = arith.mulf %add3A_117, %logistic3A_123 : vector<32x256xf32>
    %get3A_125 = arith.constant 0 : index
    %get3A_126 = arith.constant 0 : index
    %get3A_127 = vector.load %arg19[%get3A_125, %get3A_126] : memref<256x128xf32, #tpu.memory_space<vmem>>, vector<256x128xf32>
    %dot_general3A_128 = arith.constant dense<0.000000e+00> : vector<32x128xf32>
    %dot_general3A_129 = tpu.matmul %mul3A_124, %get3A_127, %dot_general3A_128 {dimension_numbers = #tpu.dot_dimension_numbers<[1], [0], [0], [1], [0, 0, 1, 1], [], []>, transpose_lhs_hint = false} : vector<32x256xf32>, vector<256x128xf32>, vector<32x128xf32> -> vector<32x128xf32>
    %get3A_130 = arith.constant 0 : index
    %get3A_131 = arith.constant 0 : index
    %get3A_132 = vector.load %arg20[%get3A_130, %get3A_131] : memref<1x128xf32, #tpu.memory_space<vmem>>, vector<1x128xf32>
    %add3A_133 = vector.broadcast %get3A_132 : vector<1x128xf32> to vector<32x128xf32>
    %add3A_134 = arith.addf %dot_general3A_129, %add3A_133 : vector<32x128xf32>
    %add3A_135 = arith.addf %add3A_134, %get3A_1 : vector<32x128xf32>
    %swap3A_136 = arith.constant 0 : index
    %swap3A_137 = arith.constant 0 : index
    %swap3A_138 = vector.load %arg21[%swap3A_136, %swap3A_137] : memref<32x128xf32, #tpu.memory_space<vmem>>, vector<32x128xf32>
    tpu.vector_store %arg21[%swap3A_136, %swap3A_137], %add3A_135 {strides = array<i32>} : memref<32x128xf32, #tpu.memory_space<vmem>>, vector<32x128xf32>,
    return
  }
  func.func @transform_0(%arg0: i32) -> (i32, i32) {
    %c0_i32 = arith.constant 0 : i32
    %c0_i32_0 = arith.constant 0 : i32
    return %arg0, %c0_i32 : i32, i32
  }
  func.func @transform_1(%arg0: i32) -> (i32, i32) {
    %c0_i32 = arith.constant 0 : i32
    %c0_i32_0 = arith.constant 0 : i32
    return %arg0, %c0_i32 : i32, i32
  }
  func.func @transform_2(%arg0: i32) -> (i32, i32) {
    %c0_i32 = arith.constant 0 : i32
    %c0_i32_0 = arith.constant 0 : i32
    return %arg0, %c0_i32 : i32, i32
  }
  func.func @transform_3(%arg0: i32) -> (i32, i32) {
    %c0_i32 = arith.constant 0 : i32
    %c0_i32_0 = arith.constant 0 : i32
    return %arg0, %c0_i32 : i32, i32
  }
  func.func @transform_4(%arg0: i32) -> (i32, i32) {
    %c0_i32 = arith.constant 0 : i32
    %c0_i32_0 = arith.constant 0 : i32
    return %arg0, %c0_i32 : i32, i32
  }
  func.func @transform_5(%arg0: i32) -> (i32, i32) {
    %c0_i32 = arith.constant 0 : i32
    %c0_i32_0 = arith.constant 0 : i32
    %c0_i32_1 = arith.constant 0 : i32
    return %c0_i32, %c0_i32_0 : i32, i32
  }
  func.func @transform_6(%arg0: i32) -> (i32, i32) {
    %c0_i32 = arith.constant 0 : i32
    %c0_i32_0 = arith.constant 0 : i32
    %c0_i32_1 = arith.constant 0 : i32
    return %c0_i32, %c0_i32_0 : i32, i32
  }
  func.func @transform_7(%arg0: i32) -> (i32, i32) {
    %c0_i32 = arith.constant 0 : i32
    %c0_i32_0 = arith.constant 0 : i32
    %c0_i32_1 = arith.constant 0 : i32
    return %c0_i32, %c0_i32_0 : i32, i32
  }
  func.func @transform_8(%arg0: i32) -> (i32, i32) {
    %c0_i32 = arith.constant 0 : i32
    %c0_i32_0 = arith.constant 0 : i32
    %c0_i32_1 = arith.constant 0 : i32
    return %c0_i32, %c0_i32_0 : i32, i32
  }
  func.func @transform_9(%arg0: i32) -> (i32, i32) {
    %c0_i32 = arith.constant 0 : i32
    %c0_i32_0 = arith.constant 0 : i32
    %c0_i32_1 = arith.constant 0 : i32
    return %c0_i32, %c0_i32_0 : i32, i32
  }
  func.func @transform_10(%arg0: i32) -> (i32, i32) {
    %c0_i32 = arith.constant 0 : i32
    %c0_i32_0 = arith.constant 0 : i32
    %c0_i32_1 = arith.constant 0 : i32
    return %c0_i32, %c0_i32_0 : i32, i32
  }
  func.func @transform_11(%arg0: i32) -> (i32, i32) {
    %c0_i32 = arith.constant 0 : i32
    %c0_i32_0 = arith.constant 0 : i32
    %c0_i32_1 = arith.constant 0 : i32
    return %c0_i32, %c0_i32_0 : i32, i32
  }
  func.func @transform_12(%arg0: i32) -> (i32, i32) {
    %c0_i32 = arith.constant 0 : i32
    %c0_i32_0 = arith.constant 0 : i32
    %c0_i32_1 = arith.constant 0 : i32
    return %c0_i32, %c0_i32_0 : i32, i32
  }
  func.func @transform_13(%arg0: i32) -> (i32, i32) {
    %c0_i32 = arith.constant 0 : i32
    %c0_i32_0 = arith.constant 0 : i32
    %c0_i32_1 = arith.constant 0 : i32
    return %c0_i32, %c0_i32_0 : i32, i32
  }
  func.func @transform_14(%arg0: i32) -> (i32, i32) {
    %c0_i32 = arith.constant 0 : i32
    %c0_i32_0 = arith.constant 0 : i32
    %c0_i32_1 = arith.constant 0 : i32
    return %c0_i32, %c0_i32_0 : i32, i32
  }
  func.func @transform_15(%arg0: i32) -> (i32, i32) {
    %c0_i32 = arith.constant 0 : i32
    %c0_i32_0 = arith.constant 0 : i32
    %c0_i32_1 = arith.constant 0 : i32
    return %c0_i32, %c0_i32_0 : i32, i32
  }
  func.func @transform_16(%arg0: i32) -> (i32, i32) {
    %c0_i32 = arith.constant 0 : i32
    %c0_i32_0 = arith.constant 0 : i32
    %c0_i32_1 = arith.constant 0 : i32
    return %c0_i32, %c0_i32_0 : i32, i32
  }
  func.func @transform_17(%arg0: i32) -> (i32, i32) {
    %c0_i32 = arith.constant 0 : i32
    %c0_i32_0 = arith.constant 0 : i32
    %c0_i32_1 = arith.constant 0 : i32
    return %c0_i32, %c0_i32_0 : i32, i32
  }
  func.func @transform_18(%arg0: i32) -> (i32, i32) {
    %c0_i32 = arith.constant 0 : i32
    %c0_i32_0 = arith.constant 0 : i32
    %c0_i32_1 = arith.constant 0 : i32
    return %c0_i32, %c0_i32_0 : i32, i32
  }
  func.func @transform_19(%arg0: i32) -> (i32, i32) {
    %c0_i32 = arith.constant 0 : i32
    %c0_i32_0 = arith.constant 0 : i32
    %c0_i32_1 = arith.constant 0 : i32
    return %c0_i32, %c0_i32_0 : i32, i32
  }
  func.func @transform_20(%arg0: i32) -> (i32, i32) {
    %c0_i32 = arith.constant 0 : i32
    %c0_i32_0 = arith.constant 0 : i32
    return %arg0, %c0_i32 : i32, i32
  }
  func.func @transform_21(%arg0: i32) -> (i32, i32) {
    %c0_i32 = arith.constant 0 : i32
    %c0_i32_0 = arith.constant 0 : i32
    return %arg0, %c0_i32 : i32, i32
  }
}

</mosaic_0001>

<sc_bundles>
// kernel: kernel.5.cloned.1.call-start
scs
__scs_entry_jumppad:
0x0: {  	(pc) =	sbr.rel $0x88, $3  }
0x1: {  	(tag) =	ssettag $0x0;
	lr =	simm.s32 $0x1  }
0x2: {  	[smem:$0x3F93] =	sst lr;
	_ =	strace $0xD0000000  }
0x3: {  	_ = 	snop  }
0x4: {  	_ = 	snop  }
0x5: {  	_ = 	snop  }
0x6: {  	_ = 	snop  }
0x7: {  	_ = 	snop  }
__scs_overlays_trampoline_lowered:
0x8: {  	[smem:$0x3FA2] =	sst s0  }
0x9: {  	[smem:$0x3FA3] =	sst s1  }
0xa: {  	[smem:$0x3FA4] =	sst s2  }
0xb: {  	[smem:$0x3FA5] =	sst s3  }
0xc: {  	[smem:$0x3FA6] =	sst s4  }
0xd: {  	[smem:$0x3FA7] =	sst s5  }
0xe: {  	[smem:$0x3FA8] =	sst s6  }
0xf: {  	[smem:$0x3FA9] =	sst s7  }
0x10: {  	[smem:$0x3FAA] =	sst s8  }
0x11: {  	[smem:$0x3FAB] =	sst s9;
	s0 =	simm.s32 @!p0 $0x0  }
0x12: {  	s1 =	sld [smem:$0x3F91];
	s0 =	simm.s32 @p0 $0x1  }
0x13: {  	[smem:$0x3FAC] =	sst s0;
	s0 =	simm.s32 @!p1 $0x0  }
0x14: {  	s2 =	sld [smem:$0x3F90];
	s0 =	simm.s32 @p1 $0x1  }
0x15: {  	[smem:$0x3FAD] =	sst s0;
	s0 =	simm.s32 @!p2 $0x0  }
0x16: {  	s3 =	sld [smem:$0x3FDB];
	s0 =	simm.s32 @p2 $0x1  }
0x17: {  	s4 =	simm.s32 $0x1BF5;
	[smem:$0x3FAF] =	sst s0  }
0x18: {  	s0 =	sld [smem:$0x3F92];
	_ =	swait.ge [sflag:s4], $0x0  }
0x19: {  	s7 =	sld [smem:$0x3F93]  }
0x1a: {  	s8 =	sadd.s32 $0xFFFFE003, lr  }
0x1b: {  	s9 =	sadd.s32 $0xFFFFFEF7, lr;
	s5 =	simm.s32 $0xFFFFFFFF;
	p2 =	slt.u32 s8, $0xFFFFF086  }
0x1c: {  	p1 =	slt.u32 s9, $0xF7A;
	s5 =	simm.s32 @!p2 $0x0  }
0x1d: {  	s5 =	simm.s32 @p1 $0x1;
	p0 =	seq.s32 s7, s2  }
0x1e: {  	s7 =	smul.u32 @!p0 $0xF7A, s2;
	p2 =	seq.s32 @!p0 s5, $0x0  }
0x1f: {  	s9 =	smul.u32 $0xF7A, s1;
	s8 =	simm.s32 @!p0 $0x1BF5;
	p2 =	por !p2, p0  }
0x20: {  	[sflag:s8] =	ssyncset.s32 @!p0 $0xFFFFF086;
	s6 =	sadd.s32 @!p0 s3, s7;
	s7 =	simm.s32 @!p0 $0x108  }
0x21: {  	s3 =	sadd.s32 s3, s9;
	s6 =	sadd.s32 @!p0 $0x88, s6;
	s7 =	simm.s32 @p2 $0x1082  }
0x22: {  	[simem:s7], [sflag:s8] =	dma.local @!p0 [hbm:s6], $0xF7A  }
0x23: {  	s9 =	sor.u32 $0xD0000000, s2;
	s6 =	simm.s32 $0x108;
	_ =	swait.ge @!p0 [sflag:s8], $0x0  }
0x24: {  	s3 =	sadd.s32 $0x88, s3;
	s6 =	simm.s32 @!p1 $0x1082;
	[sflag:s4] =	ssyncset.s32 $0xFFFFF086  }
0x25: {  	[simem:s6], [sflag:s4] =	dma.local [hbm:s3], $0xF7A  }
0x26: {  	[smem:$0x3F93] =	sst s1;
	(tag) =	ssettag s2;
	_ =	strace s9  }
0x27: {  	s1 =	sld [smem:$0x3FA3]  }
0x28: {  	s2 =	sld [smem:$0x3FA4]  }
0x29: {  	s4 =	sld [smem:$0x3FA6]  }
0x2a: {  	p0 =	seq.s32 s5, $0x0;
	s5 =	sld [smem:$0x3FA7]  }
0x2b: {  	s6 =	sld [smem:$0x3FA8]  }
0x2c: {  	s7 =	sld [smem:$0x3FA9]  }
0x2d: {  	s3 =	simm.s32 $0x108;
	s8 =	sld [smem:$0x3FAA]  }
0x2e: {  	s3 =	simm.s32 @!p0 $0x1082;
	s9 =	sld [smem:$0x3FAB]  }
0x2f: {  	lr =	sadd.s32 s0, s3;
	s0 =	sld [smem:$0x3FA2]  }
0x30: {  	s3 =	sld [smem:$0x3FA5]  }
0x31: {  	[smem:$0x3FAE] =	sst s10  }
0x32: {  	s10 =	sld [smem:$0x3FAC];
	_ =	sdelay $0x3  }
0x33: {  	p0 =	seq.s32 s10, $0x1;
	s10 =	sld [smem:$0x3FAE];
	_ =	sdelay $0x3  }
0x34: {  	[smem:$0x3FAE] =	sst s10  }
0x35: {  	s10 =	sld [smem:$0x3FAD];
	_ =	sdelay $0x3  }
0x36: {  	p1 =	seq.s32 s10, $0x1;
	s10 =	sld [smem:$0x3FAE];
	_ =	sdelay $0x3  }
0x37: {  	[smem:$0x3FAE] =	sst s10  }
0x38: {  	s10 =	sld [smem:$0x3FAF]  }
0x39: {  	_ = 	snop;
	(pc) =	sbr.ind lr, $3  }
0x3a: {  	_ = 	snop  }
0x3b: {  	_ = 	snop  }
0x3c: {  	p2 =	seq.s32 s10, $0x1;
	s10 =	sld [smem:$0x3FAE]  }
0x3d: {  	_ =	shalt  }
0x3e: {  	_ =	shalt  }
0x3f: {  	_ =	shalt  }
0x40: {  	_ =	shalt  }
0x41: {  	_ =	shalt  }
0x42: {  	_ =	shalt  }
0x43: {  	_ =	shalt  }
0x44: {  	_ =	shalt  }
0x45: {  	_ =	shalt  }
0x46: {  	_ =	shalt  }
0x47: {  	_ =	shalt  }
0x48: {  	_ =	shalt  }
0x49: {  	_ =	shalt  }
0x4a: {  	_ =	shalt  }
0x4b: {  	_ =	shalt  }
0x4c: {  	_ =	shalt  }
0x4d: {  	_ =	shalt  }
0x4e: {  	_ =	shalt  }
0x4f: {  	_ =	shalt  }
0x50: {  	_ =	shalt  }
0x51: {  	_ =	shalt  }
0x52: {  	_ =	shalt  }
0x53: {  	_ =	shalt  }
0x54: {  	_ =	shalt  }
0x55: {  	_ =	shalt  }
0x56: {  	_ =	shalt  }
0x57: {  	_ =	shalt  }
0x58: {  	_ =	shalt  }
0x59: {  	_ =	shalt  }
0x5a: {  	_ =	shalt  }
0x5b: {  	_ =	shalt  }
0x5c: {  	_ =	shalt  }
0x5d: {  	_ =	shalt  }
0x5e: {  	_ =	shalt  }
0x5f: {  	_ =	shalt  }
0x60: {  	_ =	shalt  }
0x61: {  	_ =	shalt  }
0x62: {  	_ =	shalt  }
0x63: {  	_ =	shalt  }
0x64: {  	_ =	shalt  }
0x65: {  	_ =	shalt  }
0x66: {  	_ =	shalt  }
0x67: {  	_ =	shalt  }
0x68: {  	_ =	shalt  }
0x69: {  	_ =	shalt  }
0x6a: {  	_ =	shalt  }
0x6b: {  	_ =	shalt  }
0x6c: {  	_ =	shalt  }
0x6d: {  	_ =	shalt  }
0x6e: {  	_ =	shalt  }
0x6f: {  	_ =	shalt  }
0x70: {  	_ =	shalt  }
0x71: {  	_ =	shalt  }
0x72: {  	_ =	shalt  }
0x73: {  	_ =	shalt  }
0x74: {  	_ =	shalt  }
0x75: {  	_ =	shalt  }
0x76: {  	_ =	shalt  }
0x77: {  	_ =	shalt  }
0x78: {  	_ =	shalt  }
0x79: {  	_ =	shalt  }
0x7a: {  	_ =	shalt  }
0x7b: {  	_ =	shalt  }
0x7c: {  	_ =	shalt  }
0x7d: {  	_ =	shalt  }
0x7e: {  	_ =	shalt  }
0x7f: {  	_ =	shalt  }
0x80: {  	_ =	shalt  }
0x81: {  	_ =	shalt  }
0x82: {  	_ =	shalt  }
0x83: {  	_ =	shalt  }
0x84: {  	_ =	shalt  }
0x85: {  	_ =	shalt  }
0x86: {  	_ =	shalt  }
0x87: {  	_ =	shalt  }
.Lfunc_end0:
.L_simem_size_0:
called_computation_lowered:
.L_overlay_start_0:
0x88: {  	s2 =	sld [smem:$0x3FD9]  }
0x89: {  	s3 =	sld [smem:$0x3FFE];
	_ =	sdelay $0x1  }
0x8a: {  	s1 =	srdreg.scid  }
0x8b: {  	s0 =	sand.u32 $0x1, s1  }
0x8c: {  	s14 =	sshll.u32 s0, $0xA;
	s2 =	sadd.s32 s3, s2  }
0x8d: {  	s2 =	sadd.s32 s2, s14  }
0x8e: {  	[smem:$0x3FBA] =	sst s2  }
0x8f: {  	_ = 	snop  }
0x90: {  	s2 =	sld [smem:$0x3FD0];
	_ =	sdelay $0x2  }
0x91: {  	s4 =	simm.s32 $0xA;
	s5 =	simm.s32 $0x10;
	s15 =	sld [smem:$0x3FC9]  }
0x92: {  	[smem:s5], [sflag:s4] =	dma.local [hbm:s2], $0x1  }
0x93: {  	_ =	swait.eq [sflag:s4], $0x1  }
0x94: {  	[sflag:s4] =	ssyncset.done $0x0  }
0x95: {  	[sflag:s4] =	ssyncadd.s32 $0xFFFFFFFF  }
0x96: {  	s16 =	sld [smem:$0x10];
	(tm) =	ssettm $0x1  }
0x97: {  	s17 =	sld [smem:$0x3FFB];
	_ =	sdelay $0x3  }
0x98: {  	_ =	strace s17  }
0x99: {  	s4 =	sld [smem:$0x3FFC];
	_ =	sdelay $0x3  }
0x9a: {  	_ =	strace s4  }
0x9b: {  	s4 =	sld [smem:$0x3FFD];
	_ =	sdelay $0x3  }
0x9c: {  	_ =	strace s4  }
0x9d: {  	_ =	strace $0x8FFFFFFF  }
0x9e: {  	s18 =	sld [smem:$0x3FDB];
	_ =	sdelay $0x1  }
0x9f: {  	s19 =	simm.s32 $_scs_section_size  }
0xa0: {  	s6 =	simm.s32 $_size__tile_overlayer_lowered;
	s7 =	simm.s32 $_tile_overlayer_lowered  }
0xa1: {  	s22 =	simm.s32 $0x1BFF;
	s21 =	sshll.u32 s7, $0x1;
	s4 =	sadd.s32 s19, s18  }
0xa2: {  	s8 =	simm.s32 $0x0;
	s20 =	sshll.u32 s6, $0x1;
	s6 =	sadd.s32 s21, s4  }
0xa3: {  	[timem:s8], [sflag:s22] =	dma.local [hbm:s6], s20  }
0xa4: {  	_ =	swait.ge [sflag:s22], s20  }
0xa5: {  	s5 =	ssub.s32 $0x0, s20;
	[sflag:s22] =	ssyncset.done $0x0  }
0xa6: {  	[sflag:s22] =	ssyncadd.s32 s5;
	_ =	sdelay $0x1  }
0xa7: {  	s23 =	simm.s32 $0x1B8B  }
0xa8: {  	_ =	swait.ge [sflag:s23], $0x1  }
0xa9: {  	[sflag:s23] =	ssyncset.done $0x0  }
0xaa: {  	s25 =	simm.s32 $0x1B8E;
	s24 =	sld [smem:$0x3FFE];
	[sflag:s23] =	ssyncadd.s32 $0xFFFFFFFF  }
0xab: {  	s26 =	simm.s32 $execute0_lowered;
	[smem:$0x3FD2] =	sst s25  }
0xac: {  	s6 =	sshll.u32 s26, $0x1;
	_ =	strace $0x80000046;
	[dreg:$0x1] =	wrdreg $0xFFFFFFFF  }
0xad: {  	s28 =	simm.s32 $_size_execute0_lowered;
	s4 =	sadd.s32 s4, s6;
	[dreg:$0x0] =	wrdreg $0x0  }
0xae: {  	s6 =	sshll.u32 s28, $0x1;
	[dreg:$0x2] =	wrdreg s4  }
0xaf: {  	[dreg:$0x3] =	wrdreg s6  }
0xb0: {  	[dreg:$0x4] =	wrdreg $0xC0  }
0xb1: {  	_ =	task [dreg:s8], $0x5FFFF  }
0xb2: {  	[dreg:$0x1] =	wrdreg $0xFFFFFFFF  }
0xb3: {  	[dreg:$0x0] =	wrdreg $0x60  }
0xb4: {  	[dreg:$0x2] =	wrdreg s15  }
0xb5: {  	[dreg:$0x3] =	wrdreg s16  }
0xb6: {  	[dreg:$0x4] =	wrdreg s24  }
0xb7: {  	[dreg:$0x5] =	wrdreg $0x9  }
0xb8: {  	_ =	task.clear_ibuf [dreg:s8], $0x6FFFF;
	_ =	strace $0x90000046  }
0xb9: {  	s29 =	simm.s32 $0x9;
	_ =	strace $0x80000048  }
0xba: {  	_ =	swait.ge [sflag:s29], $0x1  }
0xbb: {  	[sflag:s29] =	ssyncadd.s32 $0xFFFFFFFF  }
0xbc: {  	_ =	strace $0x90000048  }
0xbd: {  	_ =	sfence  }
0xbe: {  	s30 =	sld [smem:$0x0];
	_ =	sdelay $0x2  }
0xbf: {  	s31 =	sshll.u32 s1, $0xD;
	s1 =	sshrl.u32 s1, $0x2  }
0xc0: {  	s3 =	sand.u32 $0x4000, s31;
	s1 =	sadd.s32 s1, s30  }
0xc1: {  	s0 =	sor.u32 s3, s0;
	s1 =	sshll.u32 s1, $0x11  }
0xc2: {  	s0 =	sor.u32 s1, s0  }
0xc3: {  	s0 =	sadd.s32 $0x8F2B, s0  }
0xc4: {  	[sflag:s0] =	ssyncadd.remote.s32 $0x1  }
0xc5: {  	_ =	sfence.sel $0xFFFF  }
0xc6: {  	[dreg:$0x0] =	wrdreg $0xFFFFFFFF;
	(pc) =	sbr.abs _section_cstart, $3  }
0xc7: {  	[dreg:$0x1] =	wrdreg $0xFFFFFFFF  }
0xc8: {  	_ =	task.clear_ibuf [dreg:s8], $0x2FFFF;
	_ =	strace $0x9FFFFFFF  }
0xc9: {  	(tm) =	ssettm $0x7FFFFFFF  }
tec
execute0_lowered:
.L_overlay_start_1:
0x0: {  	(tag) =	ssettag $0x1  }
0x1: {  	s1 =	rddreg [dreg:$0x0]  }
0x2: {  	s2 =	rddreg [dreg:$0x1]  }
0x3: {  	s5 =	rddreg [dreg:$0x2]  }
0x4: {  	s0 =	rddreg [dreg:$0x3];
	s6 =	srdreg.scid  }
0x5: {  	s4 =	simm.s32 $0x0;
	s3 =	stileid.u32;
	s11 =	simm.s32 $0x4080  }
0x6: {  	s12 =	simm.s32 $0x1;
	s13 =	simm.s32 $0x2;
	s14 =	simm.s32 $0x0  }
0x7: {  	s6 =	sand.u32 $0x1, s6;
	[smem:$0x7FF] =	sst s4;
	s7 =	sshll.u32 s3, $0xD  }
0x8: {  	s9 =	sshll.u32 s3, $0x11;
	s8 =	sshll.u32 s6, $0xC;
	_ =	strace $0x80000047  }
0x9: {  	s29 =	ssub.s32 $0x2, s6;
	s9 =	sadd.s32 s9, s5;
	s6 =	sshll.u32 s6, $0x10  }
0xa: {  	s7 =	sor.u32 s8, s7;
	s10 =	sshrl.u32 s29, $0x1;
	s31 =	sadd.s32 s6, s9  }
0xb: {  	s9 =	simm.s32 $0x3;
	s7 =	sshrl.u32 s7, $0x3;
	s8 =	ssub.s32 s29, s10  }
0xc: {  	s6 =	sadd.s32 $0x6600, s31;
	s10 =	simm.s32 $0x80;
	s30 =	sadd.s32 s7, s5  }
0xd: {  	s5 =	smax.u32 s8, $0x1;
	s7 =	sadd.s32 $0x206600, s31;
	s8 =	sadd.s32 $0x2600, s30  }
.LBB2_1:
0xe: {  	[tilespmem:s4], [sflag:$0x3] =	stream.linear.gather [hbm4b:s8+s4], $0x80, $0x38;
	[tilespmem:$0x8080] =	vst v63  }
0xf: {  	_ =	swait.ge [sflag:s9], $0x80  }
0x10: {  	[sflag:s9] =	ssyncset.done $0x0  }
0x11: {  	[sflag:s9] =	ssyncadd.s32 $0xFFFFFF80  }
0x12: {  	[tilespmem:s10], [sflag:$0x1] =	stream.indirect.gather [hbm4b:s1+s10], $0x80, s4, s10, $0xb8;
	[tilespmem:$0x8080] =	vst v63  }
0x13: {  	_ = 	snop  }
0x14: {  	[tilespmem:s11], [sflag:$0x2] =	stream.indirect.gather [hbm4b:s2+s10], $0x80, s4, s10, $0xb8;
	[tilespmem:$0x8080] =	vst v63  }
0x15: {  	_ =	swait.ge [sflag:s12], $0x4000  }
0x16: {  	[sflag:s12] =	ssyncset.done $0x0  }
0x17: {  	[sflag:s12] =	ssyncadd.s32 $0xFFFFC000  }
0x18: {  	_ =	swait.ge [sflag:s13], $0x4000  }
0x19: {  	[sflag:s13] =	ssyncset.done $0x0  }
0x1a: {  	s15 =	sadd.s32 $0x0, s6;
	[sflag:s13] =	ssyncadd.s32 $0xFFFFC000  }
0x1b: {  	[hbm4b:s15+s4] =	stream.linear.scatter [tilespmem:s10], [sflag:$0x3], $0x4000, $0x38;
	[tilespmem:$0x8080] =	vst v63  }
0x1c: {  	_ =	swait.ge [sflag:s9], $0x4000  }
0x1d: {  	[sflag:s9] =	ssyncset.done $0x0  }
0x1e: {  	s31 =	sadd.s32 $0x0, s7;
	[sflag:s9] =	ssyncadd.s32 $0xFFFFC000  }
0x1f: {  	[hbm4b:s31+s4] =	stream.linear.scatter [tilespmem:s11], [sflag:$0x3], $0x4000, $0x38;
	[tilespmem:$0x8080] =	vst v63  }
0x20: {  	_ =	swait.ge [sflag:s9], $0x4000  }
0x21: {  	s16 =	smov.u32 s8;
	s15 =	simm.s32 $0x800;
	[sflag:s9] =	ssyncset.done $0x0  }
.LBB2_2:
0x22: {  	p0 =	sne.s32 s15, $0xF800;
	[sflag:s9] =	ssyncadd.s32 $0xFFFFC000;
	s16 =	sadd.s32 $0x10, s16  }
0x23: {  	[tilespmem:s4], [sflag:$0x3] =	stream.linear.gather [hbm4b:s16+s4], $0x80, $0x38;
	[tilespmem:$0x8080] =	vst v63  }
0x24: {  	s17 =	smov.u32 s15;
	s15 =	sadd.s32 $0x800, s15;
	_ =	swait.ge [sflag:s9], $0x80  }
0x25: {  	[sflag:s9] =	ssyncset.done $0x0  }
0x26: {  	[sflag:s9] =	ssyncadd.s32 $0xFFFFFF80  }
0x27: {  	[tilespmem:s10], [sflag:$0x1] =	stream.indirect.gather [hbm4b:s1+s10], $0x80, s4, s10, $0xb8;
	[tilespmem:$0x8080] =	vst v63  }
0x28: {  	_ = 	snop  }
0x29: {  	[tilespmem:s11], [sflag:$0x2] =	stream.indirect.gather [hbm4b:s2+s10], $0x80, s4, s10, $0xb8;
	[tilespmem:$0x8080] =	vst v63  }
0x2a: {  	_ =	swait.ge [sflag:s12], $0x4000  }
0x2b: {  	[sflag:s12] =	ssyncset.done $0x0  }
0x2c: {  	[sflag:s12] =	ssyncadd.s32 $0xFFFFC000  }
0x2d: {  	_ =	swait.ge [sflag:s13], $0x4000  }
0x2e: {  	[sflag:s13] =	ssyncset.done $0x0  }
0x2f: {  	s18 =	sadd.s32 s17, s6;
	[sflag:s13] =	ssyncadd.s32 $0xFFFFC000  }
0x30: {  	[hbm4b:s18+s4] =	stream.linear.scatter [tilespmem:s10], [sflag:$0x3], $0x4000, $0x38;
	[tilespmem:$0x8080] =	vst v63  }
0x31: {  	_ =	swait.ge [sflag:s9], $0x4000  }
.Ltmp0:
0x32: {  	[sflag:s9] =	ssyncset.done $0x0;
	(pc) =	sbr.rel @p0 .LBB2_2-.Ltmp0, $4  }
0x33: {  	s17 =	sadd.s32 s17, s7;
	[sflag:s9] =	ssyncadd.s32 $0xFFFFC000  }
0x34: {  	[hbm4b:s17+s4] =	stream.linear.scatter [tilespmem:s11], [sflag:$0x3], $0x4000, $0x38;
	[tilespmem:$0x8080] =	vst v63  }
0x35: {  	_ =	swait.ge [sflag:s9], $0x4000  }
0x36: {  	[sflag:s9] =	ssyncset.done $0x0  }
0x37: {  	s14 =	sadd.s32 $0x1, s14  }
0x38: {  	p0 =	sne.s32 s14, s5  }
.Ltmp1:
0x39: {  	_ = 	snop;
	(pc) =	sbr.rel @p0 .LBB2_1-.Ltmp1, $2  }
0x3a: {  	_ =	sdelay $0x2  }
0x3b: {  	[sflag:s9] =	ssyncadd.s32 $0xFFFFC000  }
0x3c: {  	_ =	sfence.sel $0x180000  }
0x3d: {  	[bflag:$0x0] =	sbarrier.arrive $0xFFFF  }
0x3e: {  	p0 =	sne.s32 s3, $0x0;
	_ =	strace $0x90000047  }
0x3f: {  	s0 =	sadd.s32 @!p0 $0x100000, s0;
	[bflag:$0x2] =	sbarrier.arrive $0xFFFF  }
0x40: {  	[sflag:s0] =	ssyncadd.tile.s32 @!p0 $0x1;
	_ =	shalt  }
.Lfunc_end2:
_tile_overlayer_lowered:
.L_overlay_start_2:
0x41: {  	(tag) =	ssettag $0x2  }
0x42: {  	s0 =	rddreg [dreg:$0x0];
	s2 =	stileid.u32  }
0x43: {  	s1 =	rddreg [dreg:$0x1];
	p0 =	sne.s32 s2, $0x0  }
0x44: {  	s3 =	rddreg [dreg:$0x2];
	[bflag:$0x3] =	sbarrier.arrive $0xFFFF;
	s2 =	simm.s32 @!p0 $0x1C03  }
0x45: {  	[timem:s3], [sflag:s2] =	dma.local @!p0 [hbm:s0], s1  }
0x46: {  	s0 =	simm.s32 @!p0 $0x3  }
0x47: {  	_ =	swait.ge @!p0 [sflag:s0], s1  }
0x48: {  	s1 =	ssub.s32 @!p0 $0x0, s1;
	[sflag:s0] =	ssyncset.done @!p0 $0x0  }
0x49: {  	[sflag:s0] =	ssyncadd.s32 @!p0 s1  }
0x4a: {  	[bflag:$0x3] =	sbarrier.arrive $0xFFFF  }
0x4b: {  	_ =	shalt  }

</sc_bundles>
